<compile_context>
chip_gen: v7x
topology: tpu7x:2x2x1
jax: 0.10.2.dev20260603
libtpu: 0.0.44.dev20260713+nightly
codegen_flags: <defaults>
</compile_context>

<pallas_src>
import functools

import jax
import jax.numpy as jnp
from jax import lax
from jax.experimental import pallas as pl
from jax.experimental.pallas import tpu as pltpu
from jax.experimental.pallas import tpu_sc as plsc

N = 10000
DEG = 32
D = 128
LN_EPS = 1e-5

NW = 32
NPAD = 10240
NODES_PER_W = NPAD // NW
G_NODES = 4
G_ROWS = G_NODES * DEG
NBUF = 4
STEPS = NODES_PER_W // (G_NODES * NBUF)


def _sc_gather_sum(x, eidx_flat):
    mesh = plsc.VectorSubcoreMesh(core_axis_name="c", subcore_axis_name="s")
    info = plsc.get_sparse_core_info()
    nc = info.num_cores

    @functools.partial(
        pl.kernel,
        mesh=mesh,
        compiler_params=pltpu.CompilerParams(use_tc_tiling_on_sc=False),
        out_type=jax.ShapeDtypeStruct((NPAD, D), jnp.float32),
        scratch_types=[
            pltpu.VMEM((NODES_PER_W * DEG,), jnp.int32),
            pltpu.VMEM((NBUF, G_ROWS, D // 2), jnp.int32),
            pltpu.VMEM((NBUF * G_NODES, D), jnp.float32),
            pltpu.VMEM_SHARED((N, D // 2), jnp.int32),
            pltpu.SemaphoreType.DMA,
            pltpu.SemaphoreType.DMA,
            pltpu.SemaphoreType.DMA,
            pltpu.SemaphoreType.DMA,
        ],
    )
    def k(x_hbm, idx_hbm, out_hbm, idx_v, rows_v, acc_v, xs_v, *sems):
        wid = lax.axis_index("s") * nc + lax.axis_index("c")
        sid = lax.axis_index("s")
        ibase = wid * (NODES_PER_W * DEG)
        srows = N // 16
        pltpu.sync_copy(x_hbm.at[pl.ds(sid * srows, srows)],
                        xs_v.at[pl.ds(sid * srows, srows)])
        pltpu.sync_copy(idx_hbm.at[pl.ds(ibase, NODES_PER_W * DEG)], idx_v)
        plsc.subcore_barrier()

        def fire(g, b):
            off = g * G_ROWS
            pltpu.make_async_copy(
                xs_v.at[idx_v.at[pl.ds(off, G_ROWS)]],
                rows_v.at[b], sems[b]).start()

        for b in range(NBUF):
            fire(b, b)

        def body(t, carry):
            for b in range(NBUF):
                pltpu.make_async_copy(
                    xs_v.at[idx_v.at[pl.ds(0, G_ROWS)]],
                    rows_v.at[b], sems[b]).wait()

                @pl.when(t < STEPS - 1)
                def _():
                    fire(t * NBUF + b + NBUF, b)

            rbase = wid * NODES_PER_W + t * (NBUF * G_NODES)
            pltpu.sync_copy(acc_v,
                            out_hbm.at[pl.ds(rbase, NBUF * G_NODES)])
            return carry

        lax.fori_loop(0, STEPS, body, 0)

    return k(x, eidx_flat)


def _tc_mlp(x, neigh, eps, W, b, gamma, beta):
    BLK = 400
    grid = (N // BLK,)

    def body(eps_ref, x_ref, ng_ref, w_ref, b_ref, g_ref, be_ref, o_ref):
        scale = 1.0 + eps_ref[0, 0]
        h = scale * x_ref[...] + ng_ref[...]
        y = lax.dot_general(h, w_ref[...], (((1,), (1,)), ((), ())),
                            preferred_element_type=jnp.float32) + b_ref[...]
        mu = jnp.mean(y, axis=-1, keepdims=True)
        var = jnp.mean((y - mu) ** 2, axis=-1, keepdims=True)
        o_ref[...] = (y - mu) * lax.rsqrt(var + LN_EPS) * g_ref[...] + be_ref[...]

    return pl.pallas_call(
        body,
        grid=grid,
        in_specs=[
            pl.BlockSpec((1, 1), lambda i: (0, 0)),
            pl.BlockSpec((BLK, D), lambda i: (i, 0)),
            pl.BlockSpec((BLK, D), lambda i: (i, 0)),
            pl.BlockSpec((D, D), lambda i: (0, 0)),
            pl.BlockSpec((1, D), lambda i: (0, 0)),
            pl.BlockSpec((1, D), lambda i: (0, 0)),
            pl.BlockSpec((1, D), lambda i: (0, 0)),
        ],
        out_specs=pl.BlockSpec((BLK, D), lambda i: (i, 0)),
        out_shape=jax.ShapeDtypeStruct((N, D), jnp.float32),
    )(eps.reshape(1, 1), x, neigh, W, b.reshape(1, D), gamma.reshape(1, D),
      beta.reshape(1, D))


def kernel(x, edge_index, eps, W, b, gamma, beta):
    eidx = jnp.pad(edge_index, ((0, NPAD - N), (0, 0))).reshape(-1)
    xb = jax.lax.bitcast_convert_type(
        x.astype(jnp.bfloat16).reshape(N, D // 2, 2), jnp.int32)
    neigh = _sc_gather_sum(xb, eidx)
    return _tc_mlp(x, neigh, eps, W, b, gamma, beta)

# --- scband reference (transcript-rebuilt; emitter-appended) ---
"""Pipeline reference for scband-ginconv-70935679861205 (READ-ONLY COPY).

The authoritative reference and input builder live on the scoring server;
editing this copy changes nothing except your own understanding.
"""

import jax, jax.numpy as jnp
import numpy as np

N = 10000
DEG = 32
D_IN = 128
D_OUT = 128
LN_EPS = 1e-5

def setup_inputs(seed: int = 0) -> dict:
    key = jax.random.key(seed)
    k1, k2, k3 = jax.random.split(key, 3)
    x = jax.random.normal(k1, (N, D_IN), dtype=jnp.float32)
    edge_index = jax.random.randint(k2, (N, DEG), 0, N, dtype=jnp.int32)
    W = jax.random.normal(k3, (D_OUT, D_IN), dtype=jnp.float32) * (1.0 / np.sqrt(D_IN))
    b = jnp.zeros((D_OUT,), dtype=jnp.float32)
    gamma = jnp.ones((D_OUT,), dtype=jnp.float32)
    beta = jnp.zeros((D_OUT,), dtype=jnp.float32)
    eps = jnp.zeros((1,), dtype=jnp.float32)
    return {"x": x, "edge_index": edge_index, "eps": eps, "W": W, "b": b, "gamma": gamma, "beta": beta}

def reference(x, edge_index, eps, W, b, gamma, beta):
    # pad node features with a zero row (index N acts as a null neighbor)
    node_feature_padded = jnp.concatenate([x, jnp.zeros((1, D_IN), dtype=x.dtype)], axis=0)
    # gather neighbor features: [N, DEG, D_IN]
    neigh_feature = node_feature_padded[edge_index]
    h = (1.0 + eps) * x + neigh_feature.sum(axis=1)
    # mlp: Linear then LayerNorm
    y = h @ W.T + b
    mu = y.mean(axis=-1, keepdims=True)
    var = ((y - mu) ** 2).mean(axis=-1, keepdims=True)
    out = (y - mu) / jnp.sqrt(var + LN_EPS) * gamma + beta
    return out

if __name__ == "__main__":
    import jax
    _d = setup_inputs()
    print(jax.jit(kernel)(*tuple(_d.values())))

</pallas_src>

<mosaic_0001>
#map = affine_map<(d0, d1) -> (0, 0)>
#map1 = affine_map<(d0, d1) -> (0)>
module attributes {stable_mosaic.version = 14 : i64} {
  func.func @k(%arg0: i32, %arg1: i32, %arg2: memref<10000x64xi32, #tpu.memory_space<hbm>>, %arg3: memref<327680xi32, #tpu.memory_space<hbm>>, %arg4: memref<10240x128xf32, #tpu.memory_space<hbm>>, %arg5: memref<10240xi32, #tpu.memory_space<vmem>>, %arg6: memref<4x128x64xi32, #tpu.memory_space<vmem>>, %arg7: memref<16x128xf32, #tpu.memory_space<vmem>>, %arg8: memref<10000x64xi32, #tpu.memory_space<vmem_shared>>, %arg9: memref<!tpu.dma_semaphore, #tpu.memory_space<semaphore_mem>>, %arg10: memref<!tpu.dma_semaphore, #tpu.memory_space<semaphore_mem>>, %arg11: memref<!tpu.dma_semaphore, #tpu.memory_space<semaphore_mem>>, %arg12: memref<!tpu.dma_semaphore, #tpu.memory_space<semaphore_mem>>) attributes {dimension_semantics = [#tpu.dimension_semantics<core_parallel>, #tpu.dimension_semantics<subcore_parallel>], iteration_bounds = array<i64: 2, 16>, scalar_prefetch = 0 : i64, scratch_operands = 8 : i64, tpu.core_type = #tpu.core_type<sc_vector_subcore>, window_params = [{transform_indices = #map}, {transform_indices = #map1}, {transform_indices = #map}]} {
    %mul3A = arith.constant 2 : i32
    %mul3A_0 = arith.muli %arg1, %mul3A : i32
    %add3A = arith.addi %mul3A_0, %arg0 : i32
    %mul3A_1 = arith.constant 10240 : i32
    %mul3A_2 = arith.muli %add3A, %mul3A_1 : i32
    %mul3A_3 = arith.constant 625 : i32
    %mul3A_4 = arith.muli %arg1, %mul3A_3 : i32
    %mul3A_5 = arith.constant 625 : i32
    %mul3A_6 = arith.muli %arg1, %mul3A_5 : i32
    "tpu.region"() ({
      %run_scoped3A = tpu.sem_alloc : memref<!tpu.dma_semaphore, #tpu.memory_space<semaphore_mem>>
      %dma_start3A_51 = arith.constant 0 : i32
      %dma_start3A_52 = tpu.memref_slice %arg8[%mul3A_6, %dma_start3A_51] : memref<10000x64xi32, #tpu.memory_space<vmem_shared>> -> memref<625x64xi32, #tpu.memory_space<vmem_shared>>
      %dma_start3A_53 = arith.constant 0 : i32
      %dma_start3A_54 = tpu.memref_slice %arg2[%mul3A_4, %dma_start3A_53] : memref<10000x64xi32, #tpu.memory_space<hbm>> -> memref<625x64xi32, #tpu.memory_space<hbm>>
      tpu.enqueue_dma source(%dma_start3A_54 : memref<625x64xi32, #tpu.memory_space<hbm>>) target(%dma_start3A_52 : memref<625x64xi32, #tpu.memory_space<vmem_shared>>) target_semaphore(%run_scoped3A : memref<!tpu.dma_semaphore, #tpu.memory_space<semaphore_mem>>)
      %dma_wait3A = arith.constant 0 : i32
      %dma_wait3A_55 = tpu.memref_slice %arg8[%mul3A_6, %dma_wait3A] : memref<10000x64xi32, #tpu.memory_space<vmem_shared>> -> memref<625x64xi32, #tpu.memory_space<vmem_shared>>
      %dma_wait3A_56 = arith.constant 0 : i32
      %dma_wait3A_57 = tpu.memref_slice %arg2[%mul3A_4, %dma_wait3A_56] : memref<10000x64xi32, #tpu.memory_space<hbm>> -> memref<625x64xi32, #tpu.memory_space<hbm>>
      tpu.wait_dma2 semaphore(%run_scoped3A : memref<!tpu.dma_semaphore, #tpu.memory_space<semaphore_mem>>) src(%dma_wait3A_57 : memref<625x64xi32, #tpu.memory_space<hbm>>) dst(%dma_wait3A_55 : memref<625x64xi32, #tpu.memory_space<vmem_shared>>)
      tpu.yield
    }) : () -> ()
    "tpu.region"() ({
      %run_scoped3A = tpu.sem_alloc : memref<!tpu.dma_semaphore, #tpu.memory_space<semaphore_mem>>
      %dma_start3A_51 = tpu.memref_slice %arg3[%mul3A_2] : memref<327680xi32, #tpu.memory_space<hbm>> -> memref<10240xi32, #tpu.memory_space<hbm>>
      %dma_start3A_52 = tpu.memref_slice %arg3[%mul3A_2] : memref<327680xi32, #tpu.memory_space<hbm>> -> memref<10240xi32, #tpu.memory_space<hbm>>
      tpu.enqueue_dma source(%dma_start3A_52 : memref<10240xi32, #tpu.memory_space<hbm>>) target(%arg5 : memref<10240xi32, #tpu.memory_space<vmem>>) target_semaphore(%run_scoped3A : memref<!tpu.dma_semaphore, #tpu.memory_space<semaphore_mem>>)
      %dma_wait3A = tpu.memref_slice %arg3[%mul3A_2] : memref<327680xi32, #tpu.memory_space<hbm>> -> memref<10240xi32, #tpu.memory_space<hbm>>
      %dma_wait3A_53 = tpu.memref_slice %arg3[%mul3A_2] : memref<327680xi32, #tpu.memory_space<hbm>> -> memref<10240xi32, #tpu.memory_space<hbm>>
      tpu.wait_dma2 semaphore(%run_scoped3A : memref<!tpu.dma_semaphore, #tpu.memory_space<semaphore_mem>>) src(%dma_wait3A_53 : memref<10240xi32, #tpu.memory_space<hbm>>) dst(%arg5 : memref<10240xi32, #tpu.memory_space<vmem>>)
      tpu.yield
    }) : () -> ()
    %barrier3A = arith.constant 0 : index
    tpu.barrier barrier_id(%barrier3A)
    %dma_start3A = arith.constant 0 : i32
    %dma_start3A_7 = arith.constant 0 : i32
    %dma_start3A_8 = arith.constant 0 : i32
    %dma_start3A_9 = tpu.memref_slice %arg6[%dma_start3A, %dma_start3A_7, %dma_start3A_8] : memref<4x128x64xi32, #tpu.memory_space<vmem>> -> memref<1x128x64xi32, #tpu.memory_space<vmem>>
    %dma_start3A_10 = tpu.memref_squeeze %dma_start3A_9 : memref<1x128x64xi32, #tpu.memory_space<vmem>> -> memref<128x64xi32, #tpu.memory_space<vmem>>
    %dma_start3A_11 = arith.constant 0 : i32
    %dma_start3A_12 = tpu.memref_slice %arg5[%dma_start3A_11] : memref<10240xi32, #tpu.memory_space<vmem>> -> memref<128xi32, #tpu.memory_space<vmem>>
    %dma_start3A_13 = arith.constant 0 : i32
    %dma_start3A_14 = arith.constant 0 : i32
    %dma_start3A_15 = tpu.memref_slice %arg8[%dma_start3A_13, %dma_start3A_14] : memref<10000x64xi32, #tpu.memory_space<vmem_shared>> -> memref<10000x64xi32, #tpu.memory_space<vmem_shared>>
    tpu.enqueue_indirect_dma source(%dma_start3A_15 : memref<10000x64xi32, #tpu.memory_space<vmem_shared>>) target(%dma_start3A_10 : memref<128x64xi32, #tpu.memory_space<vmem>>) offsets(%dma_start3A_12 : memref<128xi32, #tpu.memory_space<vmem>>) semaphore(%arg9 : memref<!tpu.dma_semaphore, #tpu.memory_space<semaphore_mem>>)
    %dma_start3A_16 = arith.constant 1 : i32
    %dma_start3A_17 = arith.constant 0 : i32
    %dma_start3A_18 = arith.constant 0 : i32
    %dma_start3A_19 = tpu.memref_slice %arg6[%dma_start3A_16, %dma_start3A_17, %dma_start3A_18] : memref<4x128x64xi32, #tpu.memory_space<vmem>> -> memref<1x128x64xi32, #tpu.memory_space<vmem>>
    %dma_start3A_20 = tpu.memref_squeeze %dma_start3A_19 : memref<1x128x64xi32, #tpu.memory_space<vmem>> -> memref<128x64xi32, #tpu.memory_space<vmem>>
    %dma_start3A_21 = arith.constant 128 : i32
    %dma_start3A_22 = tpu.memref_slice %arg5[%dma_start3A_21] : memref<10240xi32, #tpu.memory_space<vmem>> -> memref<128xi32, #tpu.memory_space<vmem>>
    %dma_start3A_23 = arith.constant 0 : i32
    %dma_start3A_24 = arith.constant 0 : i32
    %dma_start3A_25 = tpu.memref_slice %arg8[%dma_start3A_23, %dma_start3A_24] : memref<10000x64xi32, #tpu.memory_space<vmem_shared>> -> memref<10000x64xi32, #tpu.memory_space<vmem_shared>>
    tpu.enqueue_indirect_dma source(%dma_start3A_25 : memref<10000x64xi32, #tpu.memory_space<vmem_shared>>) target(%dma_start3A_20 : memref<128x64xi32, #tpu.memory_space<vmem>>) offsets(%dma_start3A_22 : memref<128xi32, #tpu.memory_space<vmem>>) semaphore(%arg10 : memref<!tpu.dma_semaphore, #tpu.memory_space<semaphore_mem>>)
    %dma_start3A_26 = arith.constant 2 : i32
    %dma_start3A_27 = arith.constant 0 : i32
    %dma_start3A_28 = arith.constant 0 : i32
    %dma_start3A_29 = tpu.memref_slice %arg6[%dma_start3A_26, %dma_start3A_27, %dma_start3A_28] : memref<4x128x64xi32, #tpu.memory_space<vmem>> -> memref<1x128x64xi32, #tpu.memory_space<vmem>>
    %dma_start3A_30 = tpu.memref_squeeze %dma_start3A_29 : memref<1x128x64xi32, #tpu.memory_space<vmem>> -> memref<128x64xi32, #tpu.memory_space<vmem>>
    %dma_start3A_31 = arith.constant 256 : i32
    %dma_start3A_32 = tpu.memref_slice %arg5[%dma_start3A_31] : memref<10240xi32, #tpu.memory_space<vmem>> -> memref<128xi32, #tpu.memory_space<vmem>>
    %dma_start3A_33 = arith.constant 0 : i32
    %dma_start3A_34 = arith.constant 0 : i32
    %dma_start3A_35 = tpu.memref_slice %arg8[%dma_start3A_33, %dma_start3A_34] : memref<10000x64xi32, #tpu.memory_space<vmem_shared>> -> memref<10000x64xi32, #tpu.memory_space<vmem_shared>>
    tpu.enqueue_indirect_dma source(%dma_start3A_35 : memref<10000x64xi32, #tpu.memory_space<vmem_shared>>) target(%dma_start3A_30 : memref<128x64xi32, #tpu.memory_space<vmem>>) offsets(%dma_start3A_32 : memref<128xi32, #tpu.memory_space<vmem>>) semaphore(%arg11 : memref<!tpu.dma_semaphore, #tpu.memory_space<semaphore_mem>>)
    %dma_start3A_36 = arith.constant 3 : i32
    %dma_start3A_37 = arith.constant 0 : i32
    %dma_start3A_38 = arith.constant 0 : i32
    %dma_start3A_39 = tpu.memref_slice %arg6[%dma_start3A_36, %dma_start3A_37, %dma_start3A_38] : memref<4x128x64xi32, #tpu.memory_space<vmem>> -> memref<1x128x64xi32, #tpu.memory_space<vmem>>
    %dma_start3A_40 = tpu.memref_squeeze %dma_start3A_39 : memref<1x128x64xi32, #tpu.memory_space<vmem>> -> memref<128x64xi32, #tpu.memory_space<vmem>>
    %dma_start3A_41 = arith.constant 384 : i32
    %dma_start3A_42 = tpu.memref_slice %arg5[%dma_start3A_41] : memref<10240xi32, #tpu.memory_space<vmem>> -> memref<128xi32, #tpu.memory_space<vmem>>
    %dma_start3A_43 = arith.constant 0 : i32
    %dma_start3A_44 = arith.constant 0 : i32
    %dma_start3A_45 = tpu.memref_slice %arg8[%dma_start3A_43, %dma_start3A_44] : memref<10000x64xi32, #tpu.memory_space<vmem_shared>> -> memref<10000x64xi32, #tpu.memory_space<vmem_shared>>
    tpu.enqueue_indirect_dma source(%dma_start3A_45 : memref<10000x64xi32, #tpu.memory_space<vmem_shared>>) target(%dma_start3A_40 : memref<128x64xi32, #tpu.memory_space<vmem>>) offsets(%dma_start3A_42 : memref<128xi32, #tpu.memory_space<vmem>>) semaphore(%arg12 : memref<!tpu.dma_semaphore, #tpu.memory_space<semaphore_mem>>)
    %scan3A = arith.constant 0 : i32
    %scan3A_46 = arith.constant 0 : i32
    %scan3A_47 = arith.constant 20 : i32
    %scan3A_48 = arith.addi %scan3A_46, %scan3A_47 : i32
    %scan3A_49 = arith.constant 1 : i32
    scf.for %scan3A_51 = %scan3A_46 to %scan3A_48 step %scan3A_49  : i32 {
      %dma_wait3A = arith.constant 0 : i32
      %dma_wait3A_52 = arith.constant 0 : i32
      %dma_wait3A_53 = arith.constant 0 : i32
      %dma_wait3A_54 = tpu.memref_slice %arg6[%dma_wait3A, %dma_wait3A_52, %dma_wait3A_53] : memref<4x128x64xi32, #tpu.memory_space<vmem>> -> memref<1x128x64xi32, #tpu.memory_space<vmem>>
      %dma_wait3A_55 = tpu.memref_squeeze %dma_wait3A_54 : memref<1x128x64xi32, #tpu.memory_space<vmem>> -> memref<128x64xi32, #tpu.memory_space<vmem>>
      %dma_wait3A_56 = arith.constant 0 : i32
      %dma_wait3A_57 = tpu.memref_slice %arg5[%dma_wait3A_56] : memref<10240xi32, #tpu.memory_space<vmem>> -> memref<128xi32, #tpu.memory_space<vmem>>
      %dma_wait3A_58 = arith.constant 0 : i32
      %dma_wait3A_59 = arith.constant 0 : i32
      %dma_wait3A_60 = tpu.memref_slice %arg8[%dma_wait3A_58, %dma_wait3A_59] : memref<10000x64xi32, #tpu.memory_space<vmem_shared>> -> memref<10000x64xi32, #tpu.memory_space<vmem_shared>>
      tpu.wait_indirect_dma semaphore(%arg9 : memref<!tpu.dma_semaphore, #tpu.memory_space<semaphore_mem>>) src(%dma_wait3A_60 : memref<10000x64xi32, #tpu.memory_space<vmem_shared>>) dst(%dma_wait3A_55 : memref<128x64xi32, #tpu.memory_space<vmem>>)
      %lt3A = arith.constant 19 : i32
      %lt3A_61 = arith.cmpi slt, %scan3A_51, %lt3A : i32
      %convert_element_type3A = arith.extui %lt3A_61 : i1 to i32
      %cond3A = arith.constant 0 : i32
      %cond3A_62 = arith.cmpi ne, %convert_element_type3A, %cond3A : i32
      scf.if %cond3A_62 {
        %mul3A_113 = arith.constant 4 : i32
        %mul3A_114 = arith.muli %scan3A_51, %mul3A_113 : i32
        %add3A_115 = arith.constant 0 : i32
        %add3A_116 = arith.addi %mul3A_114, %add3A_115 : i32
        %add3A_117 = arith.constant 4 : i32
        %add3A_118 = arith.addi %add3A_116, %add3A_117 : i32
        %mul3A_119 = arith.constant 128 : i32
        %mul3A_120 = arith.muli %add3A_118, %mul3A_119 : i32
        %dma_start3A_121 = arith.constant 0 : i32
        %dma_start3A_122 = arith.constant 0 : i32
        %dma_start3A_123 = arith.constant 0 : i32
        %dma_start3A_124 = tpu.memref_slice %arg6[%dma_start3A_121, %dma_start3A_122, %dma_start3A_123] : memref<4x128x64xi32, #tpu.memory_space<vmem>> -> memref<1x128x64xi32, #tpu.memory_space<vmem>>
        %dma_start3A_125 = tpu.memref_squeeze %dma_start3A_124 : memref<1x128x64xi32, #tpu.memory_space<vmem>> -> memref<128x64xi32, #tpu.memory_space<vmem>>
        %dma_start3A_126 = tpu.memref_slice %arg5[%mul3A_120] : memref<10240xi32, #tpu.memory_space<vmem>> -> memref<128xi32, #tpu.memory_space<vmem>>
        %dma_start3A_127 = arith.constant 0 : i32
        %dma_start3A_128 = arith.constant 0 : i32
        %dma_start3A_129 = tpu.memref_slice %arg8[%dma_start3A_127, %dma_start3A_128] : memref<10000x64xi32, #tpu.memory_space<vmem_shared>> -> memref<10000x64xi32, #tpu.memory_space<vmem_shared>>
        tpu.enqueue_indirect_dma source(%dma_start3A_129 : memref<10000x64xi32, #tpu.memory_space<vmem_shared>>) target(%dma_start3A_125 : memref<128x64xi32, #tpu.memory_space<vmem>>) offsets(%dma_start3A_126 : memref<128xi32, #tpu.memory_space<vmem>>) semaphore(%arg9 : memref<!tpu.dma_semaphore, #tpu.memory_space<semaphore_mem>>)
      } else {
      }
      %dma_wait3A_63 = arith.constant 1 : i32
      %dma_wait3A_64 = arith.constant 0 : i32
      %dma_wait3A_65 = arith.constant 0 : i32
      %dma_wait3A_66 = tpu.memref_slice %arg6[%dma_wait3A_63, %dma_wait3A_64, %dma_wait3A_65] : memref<4x128x64xi32, #tpu.memory_space<vmem>> -> memref<1x128x64xi32, #tpu.memory_space<vmem>>
      %dma_wait3A_67 = tpu.memref_squeeze %dma_wait3A_66 : memref<1x128x64xi32, #tpu.memory_space<vmem>> -> memref<128x64xi32, #tpu.memory_space<vmem>>
      %dma_wait3A_68 = arith.constant 0 : i32
      %dma_wait3A_69 = tpu.memref_slice %arg5[%dma_wait3A_68] : memref<10240xi32, #tpu.memory_space<vmem>> -> memref<128xi32, #tpu.memory_space<vmem>>
      %dma_wait3A_70 = arith.constant 0 : i32
      %dma_wait3A_71 = arith.constant 0 : i32
      %dma_wait3A_72 = tpu.memref_slice %arg8[%dma_wait3A_70, %dma_wait3A_71] : memref<10000x64xi32, #tpu.memory_space<vmem_shared>> -> memref<10000x64xi32, #tpu.memory_space<vmem_shared>>
      tpu.wait_indirect_dma semaphore(%arg10 : memref<!tpu.dma_semaphore, #tpu.memory_space<semaphore_mem>>) src(%dma_wait3A_72 : memref<10000x64xi32, #tpu.memory_space<vmem_shared>>) dst(%dma_wait3A_67 : memref<128x64xi32, #tpu.memory_space<vmem>>)
      %lt3A_73 = arith.constant 19 : i32
      %lt3A_74 = arith.cmpi slt, %scan3A_51, %lt3A_73 : i32
      %convert_element_type3A_75 = arith.extui %lt3A_74 : i1 to i32
      %cond3A_76 = arith.constant 0 : i32
      %cond3A_77 = arith.cmpi ne, %convert_element_type3A_75, %cond3A_76 : i32
      scf.if %cond3A_77 {
        %mul3A_113 = arith.constant 4 : i32
        %mul3A_114 = arith.muli %scan3A_51, %mul3A_113 : i32
        %add3A_115 = arith.constant 1 : i32
        %add3A_116 = arith.addi %mul3A_114, %add3A_115 : i32
        %add3A_117 = arith.constant 4 : i32
        %add3A_118 = arith.addi %add3A_116, %add3A_117 : i32
        %mul3A_119 = arith.constant 128 : i32
        %mul3A_120 = arith.muli %add3A_118, %mul3A_119 : i32
        %dma_start3A_121 = arith.constant 1 : i32
        %dma_start3A_122 = arith.constant 0 : i32
        %dma_start3A_123 = arith.constant 0 : i32
        %dma_start3A_124 = tpu.memref_slice %arg6[%dma_start3A_121, %dma_start3A_122, %dma_start3A_123] : memref<4x128x64xi32, #tpu.memory_space<vmem>> -> memref<1x128x64xi32, #tpu.memory_space<vmem>>
        %dma_start3A_125 = tpu.memref_squeeze %dma_start3A_124 : memref<1x128x64xi32, #tpu.memory_space<vmem>> -> memref<128x64xi32, #tpu.memory_space<vmem>>
        %dma_start3A_126 = tpu.memref_slice %arg5[%mul3A_120] : memref<10240xi32, #tpu.memory_space<vmem>> -> memref<128xi32, #tpu.memory_space<vmem>>
        %dma_start3A_127 = arith.constant 0 : i32
        %dma_start3A_128 = arith.constant 0 : i32
        %dma_start3A_129 = tpu.memref_slice %arg8[%dma_start3A_127, %dma_start3A_128] : memref<10000x64xi32, #tpu.memory_space<vmem_shared>> -> memref<10000x64xi32, #tpu.memory_space<vmem_shared>>
        tpu.enqueue_indirect_dma source(%dma_start3A_129 : memref<10000x64xi32, #tpu.memory_space<vmem_shared>>) target(%dma_start3A_125 : memref<128x64xi32, #tpu.memory_space<vmem>>) offsets(%dma_start3A_126 : memref<128xi32, #tpu.memory_space<vmem>>) semaphore(%arg10 : memref<!tpu.dma_semaphore, #tpu.memory_space<semaphore_mem>>)
      } else {
      }
      %dma_wait3A_78 = arith.constant 2 : i32
      %dma_wait3A_79 = arith.constant 0 : i32
      %dma_wait3A_80 = arith.constant 0 : i32
      %dma_wait3A_81 = tpu.memref_slice %arg6[%dma_wait3A_78, %dma_wait3A_79, %dma_wait3A_80] : memref<4x128x64xi32, #tpu.memory_space<vmem>> -> memref<1x128x64xi32, #tpu.memory_space<vmem>>
      %dma_wait3A_82 = tpu.memref_squeeze %dma_wait3A_81 : memref<1x128x64xi32, #tpu.memory_space<vmem>> -> memref<128x64xi32, #tpu.memory_space<vmem>>
      %dma_wait3A_83 = arith.constant 0 : i32
      %dma_wait3A_84 = tpu.memref_slice %arg5[%dma_wait3A_83] : memref<10240xi32, #tpu.memory_space<vmem>> -> memref<128xi32, #tpu.memory_space<vmem>>
      %dma_wait3A_85 = arith.constant 0 : i32
      %dma_wait3A_86 = arith.constant 0 : i32
      %dma_wait3A_87 = tpu.memref_slice %arg8[%dma_wait3A_85, %dma_wait3A_86] : memref<10000x64xi32, #tpu.memory_space<vmem_shared>> -> memref<10000x64xi32, #tpu.memory_space<vmem_shared>>
      tpu.wait_indirect_dma semaphore(%arg11 : memref<!tpu.dma_semaphore, #tpu.memory_space<semaphore_mem>>) src(%dma_wait3A_87 : memref<10000x64xi32, #tpu.memory_space<vmem_shared>>) dst(%dma_wait3A_82 : memref<128x64xi32, #tpu.memory_space<vmem>>)
      %lt3A_88 = arith.constant 19 : i32
      %lt3A_89 = arith.cmpi slt, %scan3A_51, %lt3A_88 : i32
      %convert_element_type3A_90 = arith.extui %lt3A_89 : i1 to i32
      %cond3A_91 = arith.constant 0 : i32
      %cond3A_92 = arith.cmpi ne, %convert_element_type3A_90, %cond3A_91 : i32
      scf.if %cond3A_92 {
        %mul3A_113 = arith.constant 4 : i32
        %mul3A_114 = arith.muli %scan3A_51, %mul3A_113 : i32
        %add3A_115 = arith.constant 2 : i32
        %add3A_116 = arith.addi %mul3A_114, %add3A_115 : i32
        %add3A_117 = arith.constant 4 : i32
        %add3A_118 = arith.addi %add3A_116, %add3A_117 : i32
        %mul3A_119 = arith.constant 128 : i32
        %mul3A_120 = arith.muli %add3A_118, %mul3A_119 : i32
        %dma_start3A_121 = arith.constant 2 : i32
        %dma_start3A_122 = arith.constant 0 : i32
        %dma_start3A_123 = arith.constant 0 : i32
        %dma_start3A_124 = tpu.memref_slice %arg6[%dma_start3A_121, %dma_start3A_122, %dma_start3A_123] : memref<4x128x64xi32, #tpu.memory_space<vmem>> -> memref<1x128x64xi32, #tpu.memory_space<vmem>>
        %dma_start3A_125 = tpu.memref_squeeze %dma_start3A_124 : memref<1x128x64xi32, #tpu.memory_space<vmem>> -> memref<128x64xi32, #tpu.memory_space<vmem>>
        %dma_start3A_126 = tpu.memref_slice %arg5[%mul3A_120] : memref<10240xi32, #tpu.memory_space<vmem>> -> memref<128xi32, #tpu.memory_space<vmem>>
        %dma_start3A_127 = arith.constant 0 : i32
        %dma_start3A_128 = arith.constant 0 : i32
        %dma_start3A_129 = tpu.memref_slice %arg8[%dma_start3A_127, %dma_start3A_128] : memref<10000x64xi32, #tpu.memory_space<vmem_shared>> -> memref<10000x64xi32, #tpu.memory_space<vmem_shared>>
        tpu.enqueue_indirect_dma source(%dma_start3A_129 : memref<10000x64xi32, #tpu.memory_space<vmem_shared>>) target(%dma_start3A_125 : memref<128x64xi32, #tpu.memory_space<vmem>>) offsets(%dma_start3A_126 : memref<128xi32, #tpu.memory_space<vmem>>) semaphore(%arg11 : memref<!tpu.dma_semaphore, #tpu.memory_space<semaphore_mem>>)
      } else {
      }
      %dma_wait3A_93 = arith.constant 3 : i32
      %dma_wait3A_94 = arith.constant 0 : i32
      %dma_wait3A_95 = arith.constant 0 : i32
      %dma_wait3A_96 = tpu.memref_slice %arg6[%dma_wait3A_93, %dma_wait3A_94, %dma_wait3A_95] : memref<4x128x64xi32, #tpu.memory_space<vmem>> -> memref<1x128x64xi32, #tpu.memory_space<vmem>>
      %dma_wait3A_97 = tpu.memref_squeeze %dma_wait3A_96 : memref<1x128x64xi32, #tpu.memory_space<vmem>> -> memref<128x64xi32, #tpu.memory_space<vmem>>
      %dma_wait3A_98 = arith.constant 0 : i32
      %dma_wait3A_99 = tpu.memref_slice %arg5[%dma_wait3A_98] : memref<10240xi32, #tpu.memory_space<vmem>> -> memref<128xi32, #tpu.memory_space<vmem>>
      %dma_wait3A_100 = arith.constant 0 : i32
      %dma_wait3A_101 = arith.constant 0 : i32
      %dma_wait3A_102 = tpu.memref_slice %arg8[%dma_wait3A_100, %dma_wait3A_101] : memref<10000x64xi32, #tpu.memory_space<vmem_shared>> -> memref<10000x64xi32, #tpu.memory_space<vmem_shared>>
      tpu.wait_indirect_dma semaphore(%arg12 : memref<!tpu.dma_semaphore, #tpu.memory_space<semaphore_mem>>) src(%dma_wait3A_102 : memref<10000x64xi32, #tpu.memory_space<vmem_shared>>) dst(%dma_wait3A_97 : memref<128x64xi32, #tpu.memory_space<vmem>>)
      %lt3A_103 = arith.constant 19 : i32
      %lt3A_104 = arith.cmpi slt, %scan3A_51, %lt3A_103 : i32
      %convert_element_type3A_105 = arith.extui %lt3A_104 : i1 to i32
      %cond3A_106 = arith.constant 0 : i32
      %cond3A_107 = arith.cmpi ne, %convert_element_type3A_105, %cond3A_106 : i32
      scf.if %cond3A_107 {
        %mul3A_113 = arith.constant 4 : i32
        %mul3A_114 = arith.muli %scan3A_51, %mul3A_113 : i32
        %add3A_115 = arith.constant 3 : i32
        %add3A_116 = arith.addi %mul3A_114, %add3A_115 : i32
        %add3A_117 = arith.constant 4 : i32
        %add3A_118 = arith.addi %add3A_116, %add3A_117 : i32
        %mul3A_119 = arith.constant 128 : i32
        %mul3A_120 = arith.muli %add3A_118, %mul3A_119 : i32
        %dma_start3A_121 = arith.constant 3 : i32
        %dma_start3A_122 = arith.constant 0 : i32
        %dma_start3A_123 = arith.constant 0 : i32
        %dma_start3A_124 = tpu.memref_slice %arg6[%dma_start3A_121, %dma_start3A_122, %dma_start3A_123] : memref<4x128x64xi32, #tpu.memory_space<vmem>> -> memref<1x128x64xi32, #tpu.memory_space<vmem>>
        %dma_start3A_125 = tpu.memref_squeeze %dma_start3A_124 : memref<1x128x64xi32, #tpu.memory_space<vmem>> -> memref<128x64xi32, #tpu.memory_space<vmem>>
        %dma_start3A_126 = tpu.memref_slice %arg5[%mul3A_120] : memref<10240xi32, #tpu.memory_space<vmem>> -> memref<128xi32, #tpu.memory_space<vmem>>
        %dma_start3A_127 = arith.constant 0 : i32
        %dma_start3A_128 = arith.constant 0 : i32
        %dma_start3A_129 = tpu.memref_slice %arg8[%dma_start3A_127, %dma_start3A_128] : memref<10000x64xi32, #tpu.memory_space<vmem_shared>> -> memref<10000x64xi32, #tpu.memory_space<vmem_shared>>
        tpu.enqueue_indirect_dma source(%dma_start3A_129 : memref<10000x64xi32, #tpu.memory_space<vmem_shared>>) target(%dma_start3A_125 : memref<128x64xi32, #tpu.memory_space<vmem>>) offsets(%dma_start3A_126 : memref<128xi32, #tpu.memory_space<vmem>>) semaphore(%arg12 : memref<!tpu.dma_semaphore, #tpu.memory_space<semaphore_mem>>)
      } else {
      }
      %mul3A_108 = arith.constant 320 : i32
      %mul3A_109 = arith.muli %add3A, %mul3A_108 : i32
      %mul3A_110 = arith.constant 16 : i32
      %mul3A_111 = arith.muli %scan3A_51, %mul3A_110 : i32
      %add3A_112 = arith.addi %mul3A_109, %mul3A_111 : i32
      "tpu.region"() ({
        %run_scoped3A = tpu.sem_alloc : memref<!tpu.dma_semaphore, #tpu.memory_space<semaphore_mem>>
        %dma_start3A_113 = arith.constant 0 : i32
        %dma_start3A_114 = tpu.memref_slice %arg4[%add3A_112, %dma_start3A_113] : memref<10240x128xf32, #tpu.memory_space<hbm>> -> memref<16x128xf32, #tpu.memory_space<hbm>>
        %dma_start3A_115 = arith.constant 0 : i32
        %dma_start3A_116 = tpu.memref_slice %arg4[%add3A_112, %dma_start3A_115] : memref<10240x128xf32, #tpu.memory_space<hbm>> -> memref<16x128xf32, #tpu.memory_space<hbm>>
        tpu.enqueue_dma source(%arg7 : memref<16x128xf32, #tpu.memory_space<vmem>>) target(%dma_start3A_116 : memref<16x128xf32, #tpu.memory_space<hbm>>) target_semaphore(%run_scoped3A : memref<!tpu.dma_semaphore, #tpu.memory_space<semaphore_mem>>)
        %dma_wait3A_117 = arith.constant 0 : i32
        %dma_wait3A_118 = tpu.memref_slice %arg4[%add3A_112, %dma_wait3A_117] : memref<10240x128xf32, #tpu.memory_space<hbm>> -> memref<16x128xf32, #tpu.memory_space<hbm>>
        %dma_wait3A_119 = arith.constant 0 : i32
        %dma_wait3A_120 = tpu.memref_slice %arg4[%add3A_112, %dma_wait3A_119] : memref<10240x128xf32, #tpu.memory_space<hbm>> -> memref<16x128xf32, #tpu.memory_space<hbm>>
        tpu.wait_dma2 semaphore(%run_scoped3A : memref<!tpu.dma_semaphore, #tpu.memory_space<semaphore_mem>>) src(%arg7 : memref<16x128xf32, #tpu.memory_space<vmem>>) dst(%dma_wait3A_120 : memref<16x128xf32, #tpu.memory_space<hbm>>)
        tpu.yield
      }) : () -> ()
    }
    %scan3A_50 = arith.constant 20 : i32
    return
  }
}

module attributes {stable_mosaic.version = 14 : i64} {
  func.func @body(%arg0: i32, %arg1: memref<1x1xf32, #tpu.memory_space<vmem>>, %arg2: memref<400x128xf32, #tpu.memory_space<vmem>>, %arg3: memref<400x128xf32, #tpu.memory_space<vmem>>, %arg4: memref<128x128xf32, #tpu.memory_space<vmem>>, %arg5: memref<1x128xf32, #tpu.memory_space<vmem>>, %arg6: memref<1x128xf32, #tpu.memory_space<vmem>>, %arg7: memref<1x128xf32, #tpu.memory_space<vmem>>, %arg8: memref<400x128xf32, #tpu.memory_space<vmem>>) attributes {dimension_semantics = [#tpu.dimension_semantics<arbitrary>], iteration_bounds = array<i64: 25>, scalar_prefetch = 0 : i64, scratch_operands = 0 : i64, tpu.core_type = #tpu.core_type<tc>, window_params = [{pipeline_mode = #tpu.pipeline_mode<synchronous>, transform_indices = @transform_0, window_bounds = array<i64: 1, 1>}, {transform_indices = @transform_1, window_bounds = array<i64: 400, 128>}, {transform_indices = @transform_2, window_bounds = array<i64: 400, 128>}, {pipeline_mode = #tpu.pipeline_mode<synchronous>, transform_indices = @transform_3, window_bounds = array<i64: 128, 128>}, {pipeline_mode = #tpu.pipeline_mode<synchronous>, transform_indices = @transform_4, window_bounds = array<i64: 1, 128>}, {pipeline_mode = #tpu.pipeline_mode<synchronous>, transform_indices = @transform_5, window_bounds = array<i64: 1, 128>}, {pipeline_mode = #tpu.pipeline_mode<synchronous>, transform_indices = @transform_6, window_bounds = array<i64: 1, 128>}, {transform_indices = @transform_7, window_bounds = array<i64: 400, 128>}]} {
    %get3A = arith.constant 0 : index
    %get3A_0 = arith.constant 0 : index
    %get3A_1 = vector.load %arg1[%get3A, %get3A_0] : memref<1x1xf32, #tpu.memory_space<vmem>>, vector<1x1xf32>
    %get3A_2 = vector.extract %get3A_1[0, 0] : f32 from vector<1x1xf32>
    %add3A = arith.constant 1.000000e+00 : f32
    %add3A_3 = arith.addf %add3A, %get3A_2 : f32
    %get3A_4 = arith.constant 0 : index
    %get3A_5 = arith.constant 0 : index
    %get3A_6 = vector.load %arg2[%get3A_4, %get3A_5] : memref<400x128xf32, #tpu.memory_space<vmem>>, vector<400x128xf32>
    %mul3A = vector.broadcast %add3A_3 : f32 to vector<400x128xf32>
    %mul3A_7 = arith.mulf %mul3A, %get3A_6 : vector<400x128xf32>
    %get3A_8 = arith.constant 0 : index
    %get3A_9 = arith.constant 0 : index
    %get3A_10 = vector.load %arg3[%get3A_8, %get3A_9] : memref<400x128xf32, #tpu.memory_space<vmem>>, vector<400x128xf32>
    %add3A_11 = arith.addf %mul3A_7, %get3A_10 : vector<400x128xf32>
    %get3A_12 = arith.constant 0 : index
    %get3A_13 = arith.constant 0 : index
    %get3A_14 = vector.load %arg4[%get3A_12, %get3A_13] : memref<128x128xf32, #tpu.memory_space<vmem>>, vector<128x128xf32>
    %dot_general3A = arith.constant dense<0.000000e+00> : vector<400x128xf32>
    %dot_general3A_15 = tpu.matmul %add3A_11, %get3A_14, %dot_general3A {dimension_numbers = #tpu.dot_dimension_numbers<[1], [1], [0], [0], [0, 0, 1, 0], [], []>, transpose_lhs_hint = false} : vector<400x128xf32>, vector<128x128xf32>, vector<400x128xf32> -> vector<400x128xf32>
    %get3A_16 = arith.constant 0 : index
    %get3A_17 = arith.constant 0 : index
    %get3A_18 = vector.load %arg5[%get3A_16, %get3A_17] : memref<1x128xf32, #tpu.memory_space<vmem>>, vector<1x128xf32>
    %add3A_19 = vector.broadcast %get3A_18 : vector<1x128xf32> to vector<400x128xf32>
    %add3A_20 = arith.addf %dot_general3A_15, %add3A_19 : vector<400x128xf32>
    %reduce_sum3A = arith.constant dense<0.000000e+00> : vector<400xf32>
    %reduce_sum3A_21 = vector.multi_reduction <add>, %add3A_20, %reduce_sum3A [1] : vector<400x128xf32> to vector<400xf32>
    %broadcast_in_dim3A = vector.shape_cast %reduce_sum3A_21 : vector<400xf32> to vector<400x1xf32>
    %div3A = arith.constant 1.280000e+02 : f32
    %div3A_22 = vector.broadcast %div3A : f32 to vector<400x1xf32>
    %div3A_23 = arith.divf %broadcast_in_dim3A, %div3A_22 : vector<400x1xf32>
    %sub3A = vector.broadcast %div3A_23 : vector<400x1xf32> to vector<400x128xf32>
    %sub3A_24 = arith.subf %add3A_20, %sub3A : vector<400x128xf32>
    %integer_pow3A = arith.mulf %sub3A_24, %sub3A_24 : vector<400x128xf32>
    %reduce_sum3A_25 = arith.constant dense<0.000000e+00> : vector<400xf32>
    %reduce_sum3A_26 = vector.multi_reduction <add>, %integer_pow3A, %reduce_sum3A_25 [1] : vector<400x128xf32> to vector<400xf32>
    %broadcast_in_dim3A_27 = vector.shape_cast %reduce_sum3A_26 : vector<400xf32> to vector<400x1xf32>
    %div3A_28 = arith.constant 1.280000e+02 : f32
    %div3A_29 = vector.broadcast %div3A_28 : f32 to vector<400x1xf32>
    %div3A_30 = arith.divf %broadcast_in_dim3A_27, %div3A_29 : vector<400x1xf32>
    %sub3A_31 = vector.broadcast %div3A_23 : vector<400x1xf32> to vector<400x128xf32>
    %sub3A_32 = arith.subf %add3A_20, %sub3A_31 : vector<400x128xf32>
    %add3A_33 = arith.constant 9.99999974E-6 : f32
    %add3A_34 = vector.broadcast %add3A_33 : f32 to vector<400x1xf32>
    %add3A_35 = arith.addf %div3A_30, %add3A_34 : vector<400x1xf32>
    %rsqrt3A = math.rsqrt %add3A_35 : vector<400x1xf32>
    %mul3A_36 = vector.broadcast %rsqrt3A : vector<400x1xf32> to vector<400x128xf32>
    %mul3A_37 = arith.mulf %sub3A_32, %mul3A_36 : vector<400x128xf32>
    %get3A_38 = arith.constant 0 : index
    %get3A_39 = arith.constant 0 : index
    %get3A_40 = vector.load %arg6[%get3A_38, %get3A_39] : memref<1x128xf32, #tpu.memory_space<vmem>>, vector<1x128xf32>
    %mul3A_41 = vector.broadcast %get3A_40 : vector<1x128xf32> to vector<400x128xf32>
    %mul3A_42 = arith.mulf %mul3A_37, %mul3A_41 : vector<400x128xf32>
    %get3A_43 = arith.constant 0 : index
    %get3A_44 = arith.constant 0 : index
    %get3A_45 = vector.load %arg7[%get3A_43, %get3A_44] : memref<1x128xf32, #tpu.memory_space<vmem>>, vector<1x128xf32>
    %add3A_46 = vector.broadcast %get3A_45 : vector<1x128xf32> to vector<400x128xf32>
    %add3A_47 = arith.addf %mul3A_42, %add3A_46 : vector<400x128xf32>
    %swap3A = arith.constant 0 : index
    %swap3A_48 = arith.constant 0 : index
    %swap3A_49 = vector.load %arg8[%swap3A, %swap3A_48] : memref<400x128xf32, #tpu.memory_space<vmem>>, vector<400x128xf32>
    tpu.vector_store %arg8[%swap3A, %swap3A_48], %add3A_47 {strides = array<i32>} : memref<400x128xf32, #tpu.memory_space<vmem>>, vector<400x128xf32>,
    return
  }
  func.func @transform_0(%arg0: i32) -> (i32, i32) {
    %c0_i32 = arith.constant 0 : i32
    %c0_i32_0 = arith.constant 0 : i32
    %c0_i32_1 = arith.constant 0 : i32
    return %c0_i32, %c0_i32_0 : i32, i32
  }
  func.func @transform_1(%arg0: i32) -> (i32, i32) {
    %c0_i32 = arith.constant 0 : i32
    %c0_i32_0 = arith.constant 0 : i32
    return %arg0, %c0_i32 : i32, i32
  }
  func.func @transform_2(%arg0: i32) -> (i32, i32) {
    %c0_i32 = arith.constant 0 : i32
    %c0_i32_0 = arith.constant 0 : i32
    return %arg0, %c0_i32 : i32, i32
  }
  func.func @transform_3(%arg0: i32) -> (i32, i32) {
    %c0_i32 = arith.constant 0 : i32
    %c0_i32_0 = arith.constant 0 : i32
    %c0_i32_1 = arith.constant 0 : i32
    return %c0_i32, %c0_i32_0 : i32, i32
  }
  func.func @transform_4(%arg0: i32) -> (i32, i32) {
    %c0_i32 = arith.constant 0 : i32
    %c0_i32_0 = arith.constant 0 : i32
    %c0_i32_1 = arith.constant 0 : i32
    return %c0_i32, %c0_i32_0 : i32, i32
  }
  func.func @transform_5(%arg0: i32) -> (i32, i32) {
    %c0_i32 = arith.constant 0 : i32
    %c0_i32_0 = arith.constant 0 : i32
    %c0_i32_1 = arith.constant 0 : i32
    return %c0_i32, %c0_i32_0 : i32, i32
  }
  func.func @transform_6(%arg0: i32) -> (i32, i32) {
    %c0_i32 = arith.constant 0 : i32
    %c0_i32_0 = arith.constant 0 : i32
    %c0_i32_1 = arith.constant 0 : i32
    return %c0_i32, %c0_i32_0 : i32, i32
  }
  func.func @transform_7(%arg0: i32) -> (i32, i32) {
    %c0_i32 = arith.constant 0 : i32
    %c0_i32_0 = arith.constant 0 : i32
    return %arg0, %c0_i32 : i32, i32
  }
}

</mosaic_0001>

<sc_bundles>
// kernel: kernel.4.cloned.1.call-start
scs
__scs_entry_jumppad:
0x0: {  	(pc) =	sbr.rel $0x88, $3  }
0x1: {  	(tag) =	ssettag $0x0;
	lr =	simm.s32 $0x1  }
0x2: {  	[smem:$0x3F9A] =	sst lr;
	_ =	strace $0xD0000000  }
0x3: {  	_ = 	snop  }
0x4: {  	_ = 	snop  }
0x5: {  	_ = 	snop  }
0x6: {  	_ = 	snop  }
0x7: {  	_ = 	snop  }
__scs_overlays_trampoline_lowered:
0x8: {  	[smem:$0x3FA9] =	sst s0  }
0x9: {  	[smem:$0x3FAA] =	sst s1  }
0xa: {  	[smem:$0x3FAB] =	sst s2  }
0xb: {  	[smem:$0x3FAC] =	sst s3  }
0xc: {  	[smem:$0x3FAD] =	sst s4  }
0xd: {  	[smem:$0x3FAE] =	sst s5  }
0xe: {  	[smem:$0x3FAF] =	sst s6  }
0xf: {  	[smem:$0x3FB0] =	sst s7  }
0x10: {  	[smem:$0x3FB1] =	sst s8  }
0x11: {  	[smem:$0x3FB2] =	sst s9;
	s0 =	simm.s32 @!p0 $0x0  }
0x12: {  	s1 =	sld [smem:$0x3F98];
	s0 =	simm.s32 @p0 $0x1  }
0x13: {  	[smem:$0x3FB3] =	sst s0;
	s0 =	simm.s32 @!p1 $0x0  }
0x14: {  	s2 =	sld [smem:$0x3F97];
	s0 =	simm.s32 @p1 $0x1  }
0x15: {  	[smem:$0x3FB4] =	sst s0;
	s0 =	simm.s32 @!p2 $0x0  }
0x16: {  	s3 =	sld [smem:$0x3FDB];
	s0 =	simm.s32 @p2 $0x1  }
0x17: {  	s4 =	simm.s32 $0x1BF5;
	[smem:$0x3FB6] =	sst s0  }
0x18: {  	s0 =	sld [smem:$0x3F99];
	_ =	swait.ge [sflag:s4], $0x0  }
0x19: {  	s7 =	sld [smem:$0x3F9A]  }
0x1a: {  	s8 =	sadd.s32 $0xFFFFE003, lr  }
0x1b: {  	s9 =	sadd.s32 $0xFFFFFEF7, lr;
	s5 =	simm.s32 $0xFFFFFFFF;
	p2 =	slt.u32 s8, $0xFFFFF086  }
0x1c: {  	p1 =	slt.u32 s9, $0xF7A;
	s5 =	simm.s32 @!p2 $0x0  }
0x1d: {  	s5 =	simm.s32 @p1 $0x1;
	p0 =	seq.s32 s7, s2  }
0x1e: {  	s7 =	smul.u32 @!p0 $0xF7A, s2;
	p2 =	seq.s32 @!p0 s5, $0x0  }
0x1f: {  	s9 =	smul.u32 $0xF7A, s1;
	s8 =	simm.s32 @!p0 $0x1BF5;
	p2 =	por !p2, p0  }
0x20: {  	[sflag:s8] =	ssyncset.s32 @!p0 $0xFFFFF086;
	s6 =	sadd.s32 @!p0 s3, s7;
	s7 =	simm.s32 @!p0 $0x108  }
0x21: {  	s3 =	sadd.s32 s3, s9;
	s6 =	sadd.s32 @!p0 $0x88, s6;
	s7 =	simm.s32 @p2 $0x1082  }
0x22: {  	[simem:s7], [sflag:s8] =	dma.local @!p0 [hbm:s6], $0xF7A  }
0x23: {  	s9 =	sor.u32 $0xD0000000, s2;
	s6 =	simm.s32 $0x108;
	_ =	swait.ge @!p0 [sflag:s8], $0x0  }
0x24: {  	s3 =	sadd.s32 $0x88, s3;
	s6 =	simm.s32 @!p1 $0x1082;
	[sflag:s4] =	ssyncset.s32 $0xFFFFF086  }
0x25: {  	[simem:s6], [sflag:s4] =	dma.local [hbm:s3], $0xF7A  }
0x26: {  	[smem:$0x3F9A] =	sst s1;
	(tag) =	ssettag s2;
	_ =	strace s9  }
0x27: {  	s1 =	sld [smem:$0x3FAA]  }
0x28: {  	s2 =	sld [smem:$0x3FAB]  }
0x29: {  	s4 =	sld [smem:$0x3FAD]  }
0x2a: {  	p0 =	seq.s32 s5, $0x0;
	s5 =	sld [smem:$0x3FAE]  }
0x2b: {  	s6 =	sld [smem:$0x3FAF]  }
0x2c: {  	s7 =	sld [smem:$0x3FB0]  }
0x2d: {  	s3 =	simm.s32 $0x108;
	s8 =	sld [smem:$0x3FB1]  }
0x2e: {  	s3 =	simm.s32 @!p0 $0x1082;
	s9 =	sld [smem:$0x3FB2]  }
0x2f: {  	lr =	sadd.s32 s0, s3;
	s0 =	sld [smem:$0x3FA9]  }
0x30: {  	s3 =	sld [smem:$0x3FAC]  }
0x31: {  	[smem:$0x3FB5] =	sst s10  }
0x32: {  	s10 =	sld [smem:$0x3FB3];
	_ =	sdelay $0x3  }
0x33: {  	p0 =	seq.s32 s10, $0x1;
	s10 =	sld [smem:$0x3FB5];
	_ =	sdelay $0x3  }
0x34: {  	[smem:$0x3FB5] =	sst s10  }
0x35: {  	s10 =	sld [smem:$0x3FB4];
	_ =	sdelay $0x3  }
0x36: {  	p1 =	seq.s32 s10, $0x1;
	s10 =	sld [smem:$0x3FB5];
	_ =	sdelay $0x3  }
0x37: {  	[smem:$0x3FB5] =	sst s10  }
0x38: {  	s10 =	sld [smem:$0x3FB6]  }
0x39: {  	_ = 	snop;
	(pc) =	sbr.ind lr, $3  }
0x3a: {  	_ = 	snop  }
0x3b: {  	_ = 	snop  }
0x3c: {  	p2 =	seq.s32 s10, $0x1;
	s10 =	sld [smem:$0x3FB5]  }
0x3d: {  	_ =	shalt  }
0x3e: {  	_ =	shalt  }
0x3f: {  	_ =	shalt  }
0x40: {  	_ =	shalt  }
0x41: {  	_ =	shalt  }
0x42: {  	_ =	shalt  }
0x43: {  	_ =	shalt  }
0x44: {  	_ =	shalt  }
0x45: {  	_ =	shalt  }
0x46: {  	_ =	shalt  }
0x47: {  	_ =	shalt  }
0x48: {  	_ =	shalt  }
0x49: {  	_ =	shalt  }
0x4a: {  	_ =	shalt  }
0x4b: {  	_ =	shalt  }
0x4c: {  	_ =	shalt  }
0x4d: {  	_ =	shalt  }
0x4e: {  	_ =	shalt  }
0x4f: {  	_ =	shalt  }
0x50: {  	_ =	shalt  }
0x51: {  	_ =	shalt  }
0x52: {  	_ =	shalt  }
0x53: {  	_ =	shalt  }
0x54: {  	_ =	shalt  }
0x55: {  	_ =	shalt  }
0x56: {  	_ =	shalt  }
0x57: {  	_ =	shalt  }
0x58: {  	_ =	shalt  }
0x59: {  	_ =	shalt  }
0x5a: {  	_ =	shalt  }
0x5b: {  	_ =	shalt  }
0x5c: {  	_ =	shalt  }
0x5d: {  	_ =	shalt  }
0x5e: {  	_ =	shalt  }
0x5f: {  	_ =	shalt  }
0x60: {  	_ =	shalt  }
0x61: {  	_ =	shalt  }
0x62: {  	_ =	shalt  }
0x63: {  	_ =	shalt  }
0x64: {  	_ =	shalt  }
0x65: {  	_ =	shalt  }
0x66: {  	_ =	shalt  }
0x67: {  	_ =	shalt  }
0x68: {  	_ =	shalt  }
0x69: {  	_ =	shalt  }
0x6a: {  	_ =	shalt  }
0x6b: {  	_ =	shalt  }
0x6c: {  	_ =	shalt  }
0x6d: {  	_ =	shalt  }
0x6e: {  	_ =	shalt  }
0x6f: {  	_ =	shalt  }
0x70: {  	_ =	shalt  }
0x71: {  	_ =	shalt  }
0x72: {  	_ =	shalt  }
0x73: {  	_ =	shalt  }
0x74: {  	_ =	shalt  }
0x75: {  	_ =	shalt  }
0x76: {  	_ =	shalt  }
0x77: {  	_ =	shalt  }
0x78: {  	_ =	shalt  }
0x79: {  	_ =	shalt  }
0x7a: {  	_ =	shalt  }
0x7b: {  	_ =	shalt  }
0x7c: {  	_ =	shalt  }
0x7d: {  	_ =	shalt  }
0x7e: {  	_ =	shalt  }
0x7f: {  	_ =	shalt  }
0x80: {  	_ =	shalt  }
0x81: {  	_ =	shalt  }
0x82: {  	_ =	shalt  }
0x83: {  	_ =	shalt  }
0x84: {  	_ =	shalt  }
0x85: {  	_ =	shalt  }
0x86: {  	_ =	shalt  }
0x87: {  	_ =	shalt  }
.Lfunc_end0:
.L_simem_size_0:
called_computation_lowered:
.L_overlay_start_0:
0x88: {  	s2 =	sld [smem:$0x3FD9]  }
0x89: {  	s3 =	sld [smem:$0x3FFE];
	_ =	sdelay $0x1  }
0x8a: {  	s1 =	srdreg.scid  }
0x8b: {  	s0 =	sand.u32 $0x1, s1  }
0x8c: {  	s17 =	sshll.u32 s0, $0xA;
	s2 =	sadd.s32 s3, s2  }
0x8d: {  	s2 =	sadd.s32 s2, s17  }
0x8e: {  	[smem:$0x3FC1] =	sst s2  }
0x8f: {  	_ = 	snop  }
0x90: {  	s2 =	sld [smem:$0x3FD0];
	(tm) =	ssettm $0x1  }
0x91: {  	s18 =	sld [smem:$0x3FFB];
	_ =	sdelay $0x3  }
0x92: {  	_ =	strace s18  }
0x93: {  	s3 =	sld [smem:$0x3FFC];
	_ =	sdelay $0x3  }
0x94: {  	_ =	strace s3  }
0x95: {  	s3 =	sld [smem:$0x3FFD];
	_ =	sdelay $0x3  }
0x96: {  	_ =	strace s3  }
0x97: {  	_ =	strace $0x8FFFFFFF  }
0x98: {  	s19 =	sld [smem:$0x3FDB];
	_ =	sdelay $0x1  }
0x99: {  	s4 =	simm.s32 $_scs_section_size  }
0x9a: {  	s5 =	simm.s32 $_size__tile_overlayer_lowered;
	s6 =	simm.s32 $_tile_overlayer_lowered  }
0x9b: {  	s22 =	simm.s32 $0x1BFF;
	s21 =	sshll.u32 s6, $0x1;
	s3 =	sadd.s32 s4, s19  }
0x9c: {  	s7 =	simm.s32 $0x0;
	s20 =	sshll.u32 s5, $0x1;
	s5 =	sadd.s32 s21, s3  }
0x9d: {  	[timem:s7], [sflag:s22] =	dma.local [hbm:s5], s20  }
0x9e: {  	_ =	swait.ge [sflag:s22], s20  }
0x9f: {  	s4 =	ssub.s32 $0x0, s20;
	[sflag:s22] =	ssyncset.done $0x0  }
0xa0: {  	[sflag:s22] =	ssyncadd.s32 s4;
	_ =	sdelay $0x1  }
0xa1: {  	s23 =	simm.s32 $0x1B8B  }
0xa2: {  	_ =	swait.ge [sflag:s23], $0x1  }
0xa3: {  	[sflag:s23] =	ssyncset.done $0x0  }
0xa4: {  	s25 =	simm.s32 $0x1B8E;
	s24 =	sld [smem:$0x3FFE];
	[sflag:s23] =	ssyncadd.s32 $0xFFFFFFFF  }
0xa5: {  	s26 =	simm.s32 $execute0_lowered;
	[smem:$0x3FD2] =	sst s25  }
0xa6: {  	s5 =	sshll.u32 s26, $0x1;
	_ =	strace $0x80000046;
	[dreg:$0x1] =	wrdreg $0xFFFFFFFF  }
0xa7: {  	s28 =	simm.s32 $_size_execute0_lowered;
	s3 =	sadd.s32 s3, s5;
	[dreg:$0x0] =	wrdreg $0x0  }
0xa8: {  	s5 =	sshll.u32 s28, $0x1;
	[dreg:$0x2] =	wrdreg s3  }
0xa9: {  	[dreg:$0x3] =	wrdreg s5  }
0xaa: {  	[dreg:$0x4] =	wrdreg $0xC0  }
0xab: {  	_ =	task [dreg:s7], $0x5FFFF  }
0xac: {  	[dreg:$0x1] =	wrdreg $0xFFFFFFFF  }
0xad: {  	[dreg:$0x0] =	wrdreg $0x60  }
0xae: {  	[dreg:$0x2] =	wrdreg s2  }
0xaf: {  	[dreg:$0x3] =	wrdreg s24  }
0xb0: {  	[dreg:$0x4] =	wrdreg $0xB0000  }
0xb1: {  	[dreg:$0x5] =	wrdreg $0x9  }
0xb2: {  	_ =	task.clear_ibuf [dreg:s7], $0x6FFFF;
	_ =	strace $0x90000046  }
0xb3: {  	s29 =	simm.s32 $0x9;
	_ =	strace $0x80000048  }
0xb4: {  	_ =	swait.ge [sflag:s29], $0x1  }
0xb5: {  	[sflag:s29] =	ssyncadd.s32 $0xFFFFFFFF  }
0xb6: {  	_ =	strace $0x90000048  }
0xb7: {  	_ =	sfence  }
0xb8: {  	s30 =	sld [smem:$0x0];
	_ =	sdelay $0x2  }
0xb9: {  	s31 =	sshll.u32 s1, $0xD;
	s1 =	sshrl.u32 s1, $0x2  }
0xba: {  	s3 =	sand.u32 $0x4000, s31;
	s1 =	sadd.s32 s1, s30  }
0xbb: {  	s0 =	sor.u32 s3, s0;
	s1 =	sshll.u32 s1, $0x11  }
0xbc: {  	s0 =	sor.u32 s1, s0  }
0xbd: {  	s0 =	sadd.s32 $0x8F2B, s0  }
0xbe: {  	[sflag:s0] =	ssyncadd.remote.s32 $0x1  }
0xbf: {  	_ =	sfence.sel $0xFFFF  }
0xc0: {  	[dreg:$0x0] =	wrdreg $0xFFFFFFFF;
	(pc) =	sbr.abs _section_cstart, $3  }
0xc1: {  	[dreg:$0x1] =	wrdreg $0xFFFFFFFF  }
0xc2: {  	_ =	task.clear_ibuf [dreg:s7], $0x2FFFF;
	_ =	strace $0x9FFFFFFF  }
0xc3: {  	(tm) =	ssettm $0x7FFFFFFF  }
tec
execute0_lowered:
.L_overlay_start_1:
0x0: {  	(tag) =	ssettag $0x1  }
0x1: {  	s4 =	rddreg [dreg:$0x0]  }
0x2: {  	s5 =	rddreg [dreg:$0x1];
	s1 =	srdreg.scid  }
0x3: {  	s0 =	stileid.u32;
	s2 =	rddreg [dreg:$0x2]  }
0x4: {  	s3 =	simm.s32 $0x0;
	s14 =	simm.s32 $0x4800;
	s15 =	simm.s32 $0x100  }
0x5: {  	s16 =	simm.s32 $0x6800;
	s17 =	simm.s32 $0x180;
	s18 =	simm.s32 $0x8800  }
0x6: {  	s19 =	simm.s32 $0x1;
	s20 =	simm.s32 $0x2;
	s21 =	simm.s32 $0x3  }
0x7: {  	s22 =	simm.s32 $0x4;
	s23 =	simm.s32 $0xA800;
	s24 =	simm.s32 $0x0  }
0x8: {  	s6 =	sand.u32 $0x1, s1;
	s1 =	rddreg [dreg:$0x3];
	s9 =	smul.u32 $0x9C40, s0  }
0x9: {  	s7 =	sshll.u32 s0, $0x1;
	[smem:$0x7FF] =	sst s3;
	s12 =	smul.u32 $0x14000, s0  }
0xa: {  	s7 =	sor.u32 s6, s7;
	s10 =	ssub.s32 $0x2, s6;
	s6 =	smul.u32 $0xA000, s6  }
0xb: {  	s11 =	sadd.s32 $0xB200, s5;
	s29 =	sshll.u32 s0, $0x6;
	s8 =	smul.u32 $0x500, s7  }
0xc: {  	_ =	strace $0x80000047;
	s7 =	smul.u32 $0xA000, s7;
	s26 =	sshrl.u32 s10, $0x1  }
0xd: {  	s28 =	sshrl.u32 s9, $0x3;
	s13 =	sadd.s32 s9, s2;
	s10 =	ssub.s32 s10, s26  }
0xe: {  	s4 =	sadd.s32 s4, s28;
	s30 =	sadd.s32 s6, s12;
	s12 =	simm.s32 $0x80  }
0xf: {  	s8 =	sadd.s32 s8, s5;
	s5 =	sor.u32 $0x1C05, s29;
	s7 =	sshrl.u32 s7, $0x3  }
0x10: {  	s9 =	sshrl.u32 s30, $0x3;
	s6 =	sadd.s32 $0x1200, s8;
	s31 =	sadd.s32 s11, s7  }
0x11: {  	s7 =	smax.u32 s10, $0x1;
	s9 =	sadd.s32 s9, s11;
	s10 =	sshrl.u32 s13, $0x3  }
0x12: {  	s11 =	simm.s32 $0x5;
	s13 =	simm.s32 $0x2800;
	s8 =	sadd.s32 $0x1300, s31  }
.LBB2_1:
0x13: {  	[spmem:s10], [sflag:s5] =	dma.local [hbm:s4], $0x1388  }
0x14: {  	_ =	swait.ge [sflag:s11], $0x1388  }
0x15: {  	[sflag:s11] =	ssyncset.done $0x0  }
0x16: {  	[sflag:s11] =	ssyncadd.s32 $0xFFFFEC78  }
0x17: {  	[tilespmem:s3], [sflag:$0x5] =	stream.linear.gather [hbm4b:s6+s3], $0x2800, $0x38;
	[tilespmem:$0x14C40] =	vst v63  }
0x18: {  	_ =	swait.ge [sflag:s11], $0x2800  }
0x19: {  	[sflag:s11] =	ssyncset.done $0x0  }
0x1a: {  	[sflag:s11] =	ssyncadd.s32 $0xFFFFD800  }
0x1b: {  	[bflag:$0x0] =	sbarrier.arrive $0xFFFF  }
0x1c: {  	[tilespmem:s13], [sflag:$0x1] =	stream.indirect.gather [spmem:s2], $0x40, s3, s12, $0xb8;
	[tilespmem:$0x14C40] =	vst v63  }
0x1d: {  	_ = 	snop  }
0x1e: {  	[tilespmem:s14], [sflag:$0x2] =	stream.indirect.gather [spmem:s2], $0x40, s12, s12, $0xb8;
	[tilespmem:$0x14C40] =	vst v63  }
0x1f: {  	_ = 	snop  }
0x20: {  	[tilespmem:s16], [sflag:$0x3] =	stream.indirect.gather [spmem:s2], $0x40, s15, s12, $0xb8;
	[tilespmem:$0x14C40] =	vst v63  }
0x21: {  	_ = 	snop  }
0x22: {  	[tilespmem:s18], [sflag:$0x4] =	stream.indirect.gather [spmem:s2], $0x40, s17, s12, $0xb8;
	[tilespmem:$0x14C40] =	vst v63  }
0x23: {  	_ =	swait.ge [sflag:s19], $0x2000  }
0x24: {  	[sflag:s19] =	ssyncset.done $0x0  }
0x25: {  	s25 =	simm.s32 $0x200;
	[sflag:s19] =	ssyncadd.s32 $0xFFFFE000  }
0x26: {  	[tilespmem:s13], [sflag:$0x1] =	stream.indirect.gather [spmem:s2], $0x40, s25, s12, $0xb8;
	[tilespmem:$0x14C40] =	vst v63  }
0x27: {  	_ =	swait.ge [sflag:s20], $0x2000  }
0x28: {  	[sflag:s20] =	ssyncset.done $0x0  }
0x29: {  	s30 =	simm.s32 $0x280;
	[sflag:s20] =	ssyncadd.s32 $0xFFFFE000  }
0x2a: {  	[tilespmem:s14], [sflag:$0x2] =	stream.indirect.gather [spmem:s2], $0x40, s30, s12, $0xb8;
	[tilespmem:$0x14C40] =	vst v63  }
0x2b: {  	_ =	swait.ge [sflag:s21], $0x2000  }
0x2c: {  	[sflag:s21] =	ssyncset.done $0x0  }
0x2d: {  	s31 =	simm.s32 $0x300;
	[sflag:s21] =	ssyncadd.s32 $0xFFFFE000  }
0x2e: {  	[tilespmem:s16], [sflag:$0x3] =	stream.indirect.gather [spmem:s2], $0x40, s31, s12, $0xb8;
	[tilespmem:$0x14C40] =	vst v63  }
0x2f: {  	_ =	swait.ge [sflag:s22], $0x2000  }
0x30: {  	[sflag:s22] =	ssyncset.done $0x0  }
0x31: {  	s25 =	simm.s32 $0x380;
	[sflag:s22] =	ssyncadd.s32 $0xFFFFE000  }
0x32: {  	[tilespmem:s18], [sflag:$0x4] =	stream.indirect.gather [spmem:s2], $0x40, s25, s12, $0xb8;
	[tilespmem:$0x14C40] =	vst v63  }
0x33: {  	s26 =	sadd.s32 $0x0, s9  }
0x34: {  	[hbm4b:s26+s3] =	stream.linear.scatter [tilespmem:s23], [sflag:$0x5], $0x800, $0x38;
	[tilespmem:$0x14C40] =	vst v63  }
0x35: {  	_ =	swait.ge [sflag:s11], $0x800  }
0x36: {  	s26 =	simm.s32 $0x100;
	[sflag:s11] =	ssyncset.done $0x0  }
.LBB2_2:
0x37: {  	p0 =	sne.s32 s26, $0x1200;
	[sflag:s11] =	ssyncadd.s32 $0xFFFFF800;
	s25 =	sadd.s32 $0x200, s25  }
0x38: {  	s28 =	smov.u32 s26;
	s26 =	sadd.s32 $0x100, s26  }
0x39: {  	_ =	swait.ge [sflag:s19], $0x2000  }
0x3a: {  	[sflag:s19] =	ssyncset.done $0x0  }
0x3b: {  	s29 =	sadd.s32 $0xFFFFFE80, s25;
	[sflag:s19] =	ssyncadd.s32 $0xFFFFE000  }
0x3c: {  	[tilespmem:s13], [sflag:$0x1] =	stream.indirect.gather [spmem:s2], $0x40, s29, s12, $0xb8;
	[tilespmem:$0x14C40] =	vst v63  }
0x3d: {  	_ =	swait.ge [sflag:s20], $0x2000  }
0x3e: {  	[sflag:s20] =	ssyncset.done $0x0  }
0x3f: {  	s29 =	sadd.s32 $0xFFFFFF00, s25;
	[sflag:s20] =	ssyncadd.s32 $0xFFFFE000  }
0x40: {  	[tilespmem:s14], [sflag:$0x2] =	stream.indirect.gather [spmem:s2], $0x40, s29, s12, $0xb8;
	[tilespmem:$0x14C40] =	vst v63  }
0x41: {  	_ =	swait.ge [sflag:s21], $0x2000  }
0x42: {  	[sflag:s21] =	ssyncset.done $0x0  }
0x43: {  	s29 =	sadd.s32 $0xFFFFFF80, s25;
	[sflag:s21] =	ssyncadd.s32 $0xFFFFE000  }
0x44: {  	[tilespmem:s16], [sflag:$0x3] =	stream.indirect.gather [spmem:s2], $0x40, s29, s12, $0xb8;
	[tilespmem:$0x14C40] =	vst v63  }
0x45: {  	_ =	swait.ge [sflag:s22], $0x2000  }
0x46: {  	[sflag:s22] =	ssyncset.done $0x0  }
0x47: {  	[sflag:s22] =	ssyncadd.s32 $0xFFFFE000  }
0x48: {  	[tilespmem:s18], [sflag:$0x4] =	stream.indirect.gather [spmem:s2], $0x40, s25, s12, $0xb8;
	[tilespmem:$0x14C40] =	vst v63  }
.Ltmp0:
0x49: {  	_ = 	snop;
	(pc) =	sbr.rel @p0 .LBB2_2-.Ltmp0, $4  }
0x4a: {  	s28 =	sadd.s32 s28, s9  }
0x4b: {  	[hbm4b:s28+s3] =	stream.linear.scatter [tilespmem:s23], [sflag:$0x5], $0x800, $0x38;
	[tilespmem:$0x14C40] =	vst v63  }
0x4c: {  	_ =	swait.ge [sflag:s11], $0x800  }
0x4d: {  	[sflag:s11] =	ssyncset.done $0x0  }
0x4e: {  	[sflag:s11] =	ssyncadd.s32 $0xFFFFF800  }
0x4f: {  	_ =	swait.ge [sflag:s19], $0x2000  }
0x50: {  	[sflag:s19] =	ssyncset.done $0x0  }
0x51: {  	[sflag:s19] =	ssyncadd.s32 $0xFFFFE000  }
0x52: {  	_ =	swait.ge [sflag:s20], $0x2000  }
0x53: {  	[sflag:s20] =	ssyncset.done $0x0  }
0x54: {  	[sflag:s20] =	ssyncadd.s32 $0xFFFFE000  }
0x55: {  	_ =	swait.ge [sflag:s21], $0x2000  }
0x56: {  	[sflag:s21] =	ssyncset.done $0x0  }
0x57: {  	[sflag:s21] =	ssyncadd.s32 $0xFFFFE000  }
0x58: {  	s24 =	sadd.s32 $0x1, s24;
	_ =	swait.ge [sflag:s22], $0x2000  }
0x59: {  	p0 =	sne.s32 s24, s7;
	[sflag:s22] =	ssyncset.done $0x0  }
.Ltmp1:
0x5a: {  	[sflag:s22] =	ssyncadd.s32 $0xFFFFE000;
	(pc) =	sbr.rel @p0 .LBB2_1-.Ltmp1, $4  }
0x5b: {  	[hbm4b:s8+s3] =	stream.linear.scatter [tilespmem:s23], [sflag:$0x5], $0x800, $0x38;
	[tilespmem:$0x14C40] =	vst v63  }
0x5c: {  	_ =	swait.ge [sflag:s11], $0x800  }
0x5d: {  	[sflag:s11] =	ssyncset.done $0x0  }
0x5e: {  	[sflag:s11] =	ssyncadd.s32 $0xFFFFF800  }
0x5f: {  	_ =	sfence.sel $0x180000  }
0x60: {  	[bflag:$0x0] =	sbarrier.arrive $0xFFFF  }
0x61: {  	p0 =	sne.s32 s0, $0x0;
	_ =	strace $0x90000047  }
0x62: {  	s0 =	sadd.s32 @!p0 $0x100000, s1;
	[bflag:$0x2] =	sbarrier.arrive $0xFFFF  }
0x63: {  	[sflag:s0] =	ssyncadd.tile.s32 @!p0 $0x1;
	_ =	shalt  }
.Lfunc_end2:
_tile_overlayer_lowered:
.L_overlay_start_2:
0x64: {  	(tag) =	ssettag $0x2  }
0x65: {  	s0 =	rddreg [dreg:$0x0];
	s2 =	stileid.u32  }
0x66: {  	s1 =	rddreg [dreg:$0x1];
	p0 =	sne.s32 s2, $0x0  }
0x67: {  	s3 =	rddreg [dreg:$0x2];
	[bflag:$0x3] =	sbarrier.arrive $0xFFFF;
	s2 =	simm.s32 @!p0 $0x1C05  }
0x68: {  	[timem:s3], [sflag:s2] =	dma.local @!p0 [hbm:s0], s1  }
0x69: {  	s0 =	simm.s32 @!p0 $0x5  }
0x6a: {  	_ =	swait.ge @!p0 [sflag:s0], s1  }
0x6b: {  	s1 =	ssub.s32 @!p0 $0x0, s1;
	[sflag:s0] =	ssyncset.done @!p0 $0x0  }
0x6c: {  	[sflag:s0] =	ssyncadd.s32 @!p0 s1  }
0x6d: {  	[bflag:$0x3] =	sbarrier.arrive $0xFFFF  }
0x6e: {  	_ =	shalt  }

</sc_bundles>
